<compile_context>
chip_gen: v7x
topology: tpu7x:2x2x1
jax: 0.10.2.dev20260603
libtpu: 0.0.44.dev20260713+nightly
codegen_flags: <defaults>
</compile_context>

<pallas_src>
import jax
import jax.numpy as jnp
from jax import lax
from jax.experimental import pallas as pl
from jax.experimental.pallas import tpu as pltpu
from jax.experimental.pallas import tpu_sc as plsc

_E = 8
_T = 4096
_S = 32768
_NW = 32
_WT = _S // _NW
_L = 16
_NEG_INF = float("-inf")


def _logits_body(x_ref, w_ref, b_ref, out_ref):
    out_ref[...] = lax.dot_general(
        w_ref[...], x_ref[...],
        (((1,), (1,)), ((), ())),
        preferred_element_type=jnp.float32,
    ) + b_ref[...]


def _route_body(logits_hbm, gates_hbm, idx_hbm, lg_v, g_v, i_v):
    wid = lax.axis_index("s") * 2 + lax.axis_index("c")
    t0 = wid * _WT
    pltpu.sync_copy(logits_hbm.at[:, pl.ds(t0, _WT)], lg_v)

    def chunk(ci, _):
        base = ci * _L
        v = [lg_v[e, pl.ds(base, _L)] for e in range(_E)]

        m1 = v[0]
        for e in range(1, _E):
            m1 = jnp.maximum(m1, v[e])
        i1 = jnp.full((_L,), _E - 1, dtype=jnp.int32)
        for e in range(_E - 2, -1, -1):
            i1 = jnp.where(v[e] == m1, jnp.int32(e), i1)

        vm = [jnp.where(i1 == e, _NEG_INF, v[e]) for e in range(_E)]
        m2 = vm[0]
        for e in range(1, _E):
            m2 = jnp.maximum(m2, vm[e])
        i2 = jnp.full((_L,), _E - 1, dtype=jnp.int32)
        for e in range(_E - 2, -1, -1):
            i2 = jnp.where(vm[e] == m2, jnp.int32(e), i2)

        e2 = jnp.exp(m2 - m1)
        r = 1.0 / (1.0 + e2)
        g1 = r
        g2 = e2 * r

        zero = jnp.zeros((_L,), jnp.float32)
        for e in range(_E):
            g_v[e, pl.ds(base, _L)] = jnp.where(
                i1 == e, g1, jnp.where(i2 == e, g2, zero))
        i_v[0, pl.ds(base, _L)] = i1
        i_v[1, pl.ds(base, _L)] = i2
        return 0

    lax.fori_loop(0, _WT // _L, chunk, 0)

    pltpu.sync_copy(g_v, gates_hbm.at[:, pl.ds(t0, _WT)])
    pltpu.sync_copy(i_v, idx_hbm.at[:, pl.ds(t0, _WT)])


def _route(logits_t):
    mesh = plsc.VectorSubcoreMesh(
        core_axis_name="c", subcore_axis_name="s",
        num_cores=2, num_subcores=16)
    return pl.kernel(
        _route_body,
        out_type=[
            jax.ShapeDtypeStruct((_E, _S), jnp.float32),
            jax.ShapeDtypeStruct((2, _S), jnp.int32),
        ],
        mesh=mesh,
        scratch_types=[
            pltpu.VMEM((_E, _WT), jnp.float32),
            pltpu.VMEM((_E, _WT), jnp.float32),
            pltpu.VMEM((2, _WT), jnp.int32),
        ],
        compiler_params=pltpu.CompilerParams(
            needs_layout_passes=False, use_tc_tiling_on_sc=True,
            disable_bounds_checks=True),
    )(logits_t)


def kernel(x, W, b):
    B, N, D = x.shape
    tokens = B * N
    x2 = x.reshape(tokens, D)
    b2 = b.reshape(_E, 1)
    grid_a = _S // _T

    logits_a = pl.pallas_call(
        _logits_body,
        grid=(grid_a,),
        in_specs=[
            pl.BlockSpec((_T, D), lambda i: (i, 0)),
            pl.BlockSpec((_E, D), lambda i: (0, 0)),
            pl.BlockSpec((_E, 1), lambda i: (0, 0)),
        ],
        out_specs=pl.BlockSpec((_E, _T), lambda i: (0, i)),
        out_shape=jax.ShapeDtypeStruct((_E, _S), jnp.float32),
    )(x2, W, b2)

    gates_a, idx_a = _route(logits_a)

    full_gates = gates_a.T.reshape(B, N, _E)
    topk_idx = idx_a.T.reshape(B, N, 2)
    return (full_gates, topk_idx)

# --- scband reference (transcript-rebuilt; emitter-appended) ---
"""Pipeline reference for scband-noisy-topk-router-7911329759613 (READ-ONLY COPY).

The authoritative reference and input builder live on the scoring server;
editing this copy changes nothing except your own understanding.
"""

import jax, jax.numpy as jnp
import numpy as np

INPUT_DIM = 768
NUM_EXPERTS = 8
TOPK = 2

def setup_inputs(seed: int = 0) -> dict:
    key = jax.random.key(seed)
    kx, kw, kb = jax.random.split(key, 3)
    x = jax.random.normal(kx, (4, 8192, INPUT_DIM), dtype=jnp.float32)
    # nn.Linear(input_dim, num_experts): weight [E, D], bias [E]
    W = jax.random.normal(kw, (NUM_EXPERTS, INPUT_DIM), dtype=jnp.float32) * 0.02
    b = jax.random.normal(kb, (NUM_EXPERTS,), dtype=jnp.float32) * 0.02
    return {"x": x, "W": W, "b": b}

def reference(x, W, b):
    # gate_logits = self.gate(x)
    gate_logits = jnp.einsum('bnd,ed->bne', x, W) + b  # [B, N, E]
    # topk over last dim
    topk_values, topk_indices = jax.lax.top_k(gate_logits, TOPK)  # [B,N,k]
    # softmax over the k selected logits
    topk_gates = jax.nn.softmax(topk_values, axis=-1)  # [B,N,k]
    # scatter back into full [B,N,E] gate tensor (indices are distinct -> add == overwrite)
    onehot = jax.nn.one_hot(topk_indices, NUM_EXPERTS, dtype=topk_gates.dtype)  # [B,N,k,E]
    full_gates = jnp.sum(onehot * topk_gates[..., None], axis=-2)  # [B,N,E]
    return (full_gates, topk_indices)

if __name__ == "__main__":
    import jax
    _d = setup_inputs()
    print(jax.jit(kernel)(*tuple(_d.values())))

</pallas_src>

<mosaic_0001>
#map = affine_map<(d0, d1) -> (0, 0)>
module attributes {stable_mosaic.version = 14 : i64} {
  func.func @_route_body(%arg0: i32, %arg1: i32, %arg2: memref<8x32768xf32, #tpu.memory_space<hbm>>, %arg3: memref<8x32768xf32, #tpu.memory_space<hbm>>, %arg4: memref<2x32768xi32, #tpu.memory_space<hbm>>, %arg5: memref<8x1024xf32, #tpu.memory_space<vmem>>, %arg6: memref<8x1024xf32, #tpu.memory_space<vmem>>, %arg7: memref<2x1024xi32, #tpu.memory_space<vmem>>) attributes {dimension_semantics = [#tpu.dimension_semantics<core_parallel>, #tpu.dimension_semantics<subcore_parallel>], iteration_bounds = array<i64: 2, 16>, scalar_prefetch = 0 : i64, scratch_operands = 3 : i64, tpu.core_type = #tpu.core_type<sc_vector_subcore>, window_params = [{transform_indices = #map}, {transform_indices = #map}, {transform_indices = #map}]} {
    %mul3A = arith.constant 2 : i32
    %mul3A_0 = arith.muli %arg1, %mul3A : i32
    %add3A = arith.addi %mul3A_0, %arg0 : i32
    %mul3A_1 = arith.constant 1024 : i32
    %mul3A_2 = arith.muli %add3A, %mul3A_1 : i32
    "tpu.region"() ({
      %run_scoped3A = tpu.sem_alloc : memref<!tpu.dma_semaphore, #tpu.memory_space<semaphore_mem>>
      %dma_start3A = arith.constant 0 : i32
      %dma_start3A_9 = tpu.memref_slice %arg2[%dma_start3A, %mul3A_2] : memref<8x32768xf32, #tpu.memory_space<hbm>> -> memref<8x1024xf32, #tpu.memory_space<hbm>>
      %dma_start3A_10 = arith.constant 0 : i32
      %dma_start3A_11 = tpu.memref_slice %arg2[%dma_start3A_10, %mul3A_2] : memref<8x32768xf32, #tpu.memory_space<hbm>> -> memref<8x1024xf32, #tpu.memory_space<hbm>>
      tpu.enqueue_dma source(%dma_start3A_11 : memref<8x1024xf32, #tpu.memory_space<hbm>>) target(%arg5 : memref<8x1024xf32, #tpu.memory_space<vmem>>) target_semaphore(%run_scoped3A : memref<!tpu.dma_semaphore, #tpu.memory_space<semaphore_mem>>)
      %dma_wait3A = arith.constant 0 : i32
      %dma_wait3A_12 = tpu.memref_slice %arg2[%dma_wait3A, %mul3A_2] : memref<8x32768xf32, #tpu.memory_space<hbm>> -> memref<8x1024xf32, #tpu.memory_space<hbm>>
      %dma_wait3A_13 = arith.constant 0 : i32
      %dma_wait3A_14 = tpu.memref_slice %arg2[%dma_wait3A_13, %mul3A_2] : memref<8x32768xf32, #tpu.memory_space<hbm>> -> memref<8x1024xf32, #tpu.memory_space<hbm>>
      tpu.wait_dma2 semaphore(%run_scoped3A : memref<!tpu.dma_semaphore, #tpu.memory_space<semaphore_mem>>) src(%dma_wait3A_14 : memref<8x1024xf32, #tpu.memory_space<hbm>>) dst(%arg5 : memref<8x1024xf32, #tpu.memory_space<vmem>>)
      tpu.yield
    }) : () -> ()
    %scan3A = arith.constant 0 : i32
    %scan3A_3 = arith.constant 0 : i32
    %scan3A_4 = arith.constant 64 : i32
    %scan3A_5 = arith.addi %scan3A_3, %scan3A_4 : i32
    %scan3A_6 = arith.constant 1 : i32
    %scan3A_7 = scf.for %scan3A_9 = %scan3A_3 to %scan3A_5 step %scan3A_6 iter_args(%scan3A_10 = %scan3A) -> (i32)  : i32 {
      %mul3A_11 = arith.constant 16 : i32
      %mul3A_12 = arith.muli %scan3A_9, %mul3A_11 : i32
      %get3A = arith.constant 0 : i32
      %get3A_13 = arith.index_cast %get3A : i32 to index
      %get3A_14 = arith.index_cast %mul3A_12 : i32 to index
      %get3A_15 = tpu.vector_load %arg5[%get3A_13, %get3A_14] {strides = array<i32>} : memref<8x1024xf32, #tpu.memory_space<vmem>>, vector<16xf32>,
      %get3A_16 = arith.constant 1 : i32
      %get3A_17 = arith.index_cast %get3A_16 : i32 to index
      %get3A_18 = arith.index_cast %mul3A_12 : i32 to index
      %get3A_19 = tpu.vector_load %arg5[%get3A_17, %get3A_18] {strides = array<i32>} : memref<8x1024xf32, #tpu.memory_space<vmem>>, vector<16xf32>,
      %get3A_20 = arith.constant 2 : i32
      %get3A_21 = arith.index_cast %get3A_20 : i32 to index
      %get3A_22 = arith.index_cast %mul3A_12 : i32 to index
      %get3A_23 = tpu.vector_load %arg5[%get3A_21, %get3A_22] {strides = array<i32>} : memref<8x1024xf32, #tpu.memory_space<vmem>>, vector<16xf32>,
      %get3A_24 = arith.constant 3 : i32
      %get3A_25 = arith.index_cast %get3A_24 : i32 to index
      %get3A_26 = arith.index_cast %mul3A_12 : i32 to index
      %get3A_27 = tpu.vector_load %arg5[%get3A_25, %get3A_26] {strides = array<i32>} : memref<8x1024xf32, #tpu.memory_space<vmem>>, vector<16xf32>,
      %get3A_28 = arith.constant 4 : i32
      %get3A_29 = arith.index_cast %get3A_28 : i32 to index
      %get3A_30 = arith.index_cast %mul3A_12 : i32 to index
      %get3A_31 = tpu.vector_load %arg5[%get3A_29, %get3A_30] {strides = array<i32>} : memref<8x1024xf32, #tpu.memory_space<vmem>>, vector<16xf32>,
      %get3A_32 = arith.constant 5 : i32
      %get3A_33 = arith.index_cast %get3A_32 : i32 to index
      %get3A_34 = arith.index_cast %mul3A_12 : i32 to index
      %get3A_35 = tpu.vector_load %arg5[%get3A_33, %get3A_34] {strides = array<i32>} : memref<8x1024xf32, #tpu.memory_space<vmem>>, vector<16xf32>,
      %get3A_36 = arith.constant 6 : i32
      %get3A_37 = arith.index_cast %get3A_36 : i32 to index
      %get3A_38 = arith.index_cast %mul3A_12 : i32 to index
      %get3A_39 = tpu.vector_load %arg5[%get3A_37, %get3A_38] {strides = array<i32>} : memref<8x1024xf32, #tpu.memory_space<vmem>>, vector<16xf32>,
      %get3A_40 = arith.constant 7 : i32
      %get3A_41 = arith.index_cast %get3A_40 : i32 to index
      %get3A_42 = arith.index_cast %mul3A_12 : i32 to index
      %get3A_43 = tpu.vector_load %arg5[%get3A_41, %get3A_42] {strides = array<i32>} : memref<8x1024xf32, #tpu.memory_space<vmem>>, vector<16xf32>,
      %max3A = arith.maximumf %get3A_15, %get3A_19 : vector<16xf32>
      %max3A_44 = arith.maximumf %max3A, %get3A_23 : vector<16xf32>
      %max3A_45 = arith.maximumf %max3A_44, %get3A_27 : vector<16xf32>
      %max3A_46 = arith.maximumf %max3A_45, %get3A_31 : vector<16xf32>
      %max3A_47 = arith.maximumf %max3A_46, %get3A_35 : vector<16xf32>
      %max3A_48 = arith.maximumf %max3A_47, %get3A_39 : vector<16xf32>
      %max3A_49 = arith.maximumf %max3A_48, %get3A_43 : vector<16xf32>
      %broadcast_in_dim3A = arith.constant 7 : i32
      %broadcast_in_dim3A_50 = vector.broadcast %broadcast_in_dim3A : i32 to vector<16xi32>
      %eq3A = arith.cmpf oeq, %get3A_39, %max3A_49 : vector<16xf32>
      %jit3A = arith.constant 6 : i32
      %broadcast_in_dim3A_51 = vector.broadcast %jit3A : i32 to vector<16xi32>
      %select_n3A = arith.select %eq3A, %broadcast_in_dim3A_51, %broadcast_in_dim3A_50 : vector<16xi1>, vector<16xi32>
      %eq3A_52 = arith.cmpf oeq, %get3A_35, %max3A_49 : vector<16xf32>
      %jit3A_53 = arith.constant 5 : i32
      %broadcast_in_dim3A_54 = vector.broadcast %jit3A_53 : i32 to vector<16xi32>
      %select_n3A_55 = arith.select %eq3A_52, %broadcast_in_dim3A_54, %select_n3A : vector<16xi1>, vector<16xi32>
      %eq3A_56 = arith.cmpf oeq, %get3A_31, %max3A_49 : vector<16xf32>
      %jit3A_57 = arith.constant 4 : i32
      %broadcast_in_dim3A_58 = vector.broadcast %jit3A_57 : i32 to vector<16xi32>
      %select_n3A_59 = arith.select %eq3A_56, %broadcast_in_dim3A_58, %select_n3A_55 : vector<16xi1>, vector<16xi32>
      %eq3A_60 = arith.cmpf oeq, %get3A_27, %max3A_49 : vector<16xf32>
      %jit3A_61 = arith.constant 3 : i32
      %broadcast_in_dim3A_62 = vector.broadcast %jit3A_61 : i32 to vector<16xi32>
      %select_n3A_63 = arith.select %eq3A_60, %broadcast_in_dim3A_62, %select_n3A_59 : vector<16xi1>, vector<16xi32>
      %eq3A_64 = arith.cmpf oeq, %get3A_23, %max3A_49 : vector<16xf32>
      %jit3A_65 = arith.constant 2 : i32
      %broadcast_in_dim3A_66 = vector.broadcast %jit3A_65 : i32 to vector<16xi32>
      %select_n3A_67 = arith.select %eq3A_64, %broadcast_in_dim3A_66, %select_n3A_63 : vector<16xi1>, vector<16xi32>
      %eq3A_68 = arith.cmpf oeq, %get3A_19, %max3A_49 : vector<16xf32>
      %jit3A_69 = arith.constant 1 : i32
      %broadcast_in_dim3A_70 = vector.broadcast %jit3A_69 : i32 to vector<16xi32>
      %select_n3A_71 = arith.select %eq3A_68, %broadcast_in_dim3A_70, %select_n3A_67 : vector<16xi1>, vector<16xi32>
      %eq3A_72 = arith.cmpf oeq, %get3A_15, %max3A_49 : vector<16xf32>
      %jit3A_73 = arith.constant 0 : i32
      %broadcast_in_dim3A_74 = vector.broadcast %jit3A_73 : i32 to vector<16xi32>
      %select_n3A_75 = arith.select %eq3A_72, %broadcast_in_dim3A_74, %select_n3A_71 : vector<16xi1>, vector<16xi32>
      %eq3A_76 = arith.constant 0 : i32
      %eq3A_77 = vector.broadcast %eq3A_76 : i32 to vector<16xi32>
      %eq3A_78 = arith.cmpi eq, %select_n3A_75, %eq3A_77 : vector<16xi32>
      %jit3A_79 = arith.constant 0xFF800000 : f32
      %broadcast_in_dim3A_80 = vector.broadcast %jit3A_79 : f32 to vector<16xf32>
      %select_n3A_81 = arith.select %eq3A_78, %broadcast_in_dim3A_80, %get3A_15 : vector<16xi1>, vector<16xf32>
      %eq3A_82 = arith.constant 1 : i32
      %eq3A_83 = vector.broadcast %eq3A_82 : i32 to vector<16xi32>
      %eq3A_84 = arith.cmpi eq, %select_n3A_75, %eq3A_83 : vector<16xi32>
      %jit3A_85 = arith.constant 0xFF800000 : f32
      %broadcast_in_dim3A_86 = vector.broadcast %jit3A_85 : f32 to vector<16xf32>
      %select_n3A_87 = arith.select %eq3A_84, %broadcast_in_dim3A_86, %get3A_19 : vector<16xi1>, vector<16xf32>
      %eq3A_88 = arith.constant 2 : i32
      %eq3A_89 = vector.broadcast %eq3A_88 : i32 to vector<16xi32>
      %eq3A_90 = arith.cmpi eq, %select_n3A_75, %eq3A_89 : vector<16xi32>
      %jit3A_91 = arith.constant 0xFF800000 : f32
      %broadcast_in_dim3A_92 = vector.broadcast %jit3A_91 : f32 to vector<16xf32>
      %select_n3A_93 = arith.select %eq3A_90, %broadcast_in_dim3A_92, %get3A_23 : vector<16xi1>, vector<16xf32>
      %eq3A_94 = arith.constant 3 : i32
      %eq3A_95 = vector.broadcast %eq3A_94 : i32 to vector<16xi32>
      %eq3A_96 = arith.cmpi eq, %select_n3A_75, %eq3A_95 : vector<16xi32>
      %jit3A_97 = arith.constant 0xFF800000 : f32
      %broadcast_in_dim3A_98 = vector.broadcast %jit3A_97 : f32 to vector<16xf32>
      %select_n3A_99 = arith.select %eq3A_96, %broadcast_in_dim3A_98, %get3A_27 : vector<16xi1>, vector<16xf32>
      %eq3A_100 = arith.constant 4 : i32
      %eq3A_101 = vector.broadcast %eq3A_100 : i32 to vector<16xi32>
      %eq3A_102 = arith.cmpi eq, %select_n3A_75, %eq3A_101 : vector<16xi32>
      %jit3A_103 = arith.constant 0xFF800000 : f32
      %broadcast_in_dim3A_104 = vector.broadcast %jit3A_103 : f32 to vector<16xf32>
      %select_n3A_105 = arith.select %eq3A_102, %broadcast_in_dim3A_104, %get3A_31 : vector<16xi1>, vector<16xf32>
      %eq3A_106 = arith.constant 5 : i32
      %eq3A_107 = vector.broadcast %eq3A_106 : i32 to vector<16xi32>
      %eq3A_108 = arith.cmpi eq, %select_n3A_75, %eq3A_107 : vector<16xi32>
      %jit3A_109 = arith.constant 0xFF800000 : f32
      %broadcast_in_dim3A_110 = vector.broadcast %jit3A_109 : f32 to vector<16xf32>
      %select_n3A_111 = arith.select %eq3A_108, %broadcast_in_dim3A_110, %get3A_35 : vector<16xi1>, vector<16xf32>
      %eq3A_112 = arith.constant 6 : i32
      %eq3A_113 = vector.broadcast %eq3A_112 : i32 to vector<16xi32>
      %eq3A_114 = arith.cmpi eq, %select_n3A_75, %eq3A_113 : vector<16xi32>
      %jit3A_115 = arith.constant 0xFF800000 : f32
      %broadcast_in_dim3A_116 = vector.broadcast %jit3A_115 : f32 to vector<16xf32>
      %select_n3A_117 = arith.select %eq3A_114, %broadcast_in_dim3A_116, %get3A_39 : vector<16xi1>, vector<16xf32>
      %eq3A_118 = arith.constant 7 : i32
      %eq3A_119 = vector.broadcast %eq3A_118 : i32 to vector<16xi32>
      %eq3A_120 = arith.cmpi eq, %select_n3A_75, %eq3A_119 : vector<16xi32>
      %jit3A_121 = arith.constant 0xFF800000 : f32
      %broadcast_in_dim3A_122 = vector.broadcast %jit3A_121 : f32 to vector<16xf32>
      %select_n3A_123 = arith.select %eq3A_120, %broadcast_in_dim3A_122, %get3A_43 : vector<16xi1>, vector<16xf32>
      %max3A_124 = arith.maximumf %select_n3A_81, %select_n3A_87 : vector<16xf32>
      %max3A_125 = arith.maximumf %max3A_124, %select_n3A_93 : vector<16xf32>
      %max3A_126 = arith.maximumf %max3A_125, %select_n3A_99 : vector<16xf32>
      %max3A_127 = arith.maximumf %max3A_126, %select_n3A_105 : vector<16xf32>
      %max3A_128 = arith.maximumf %max3A_127, %select_n3A_111 : vector<16xf32>
      %max3A_129 = arith.maximumf %max3A_128, %select_n3A_117 : vector<16xf32>
      %max3A_130 = arith.maximumf %max3A_129, %select_n3A_123 : vector<16xf32>
      %broadcast_in_dim3A_131 = arith.constant 7 : i32
      %broadcast_in_dim3A_132 = vector.broadcast %broadcast_in_dim3A_131 : i32 to vector<16xi32>
      %eq3A_133 = arith.cmpf oeq, %select_n3A_117, %max3A_130 : vector<16xf32>
      %jit3A_134 = arith.constant 6 : i32
      %broadcast_in_dim3A_135 = vector.broadcast %jit3A_134 : i32 to vector<16xi32>
      %select_n3A_136 = arith.select %eq3A_133, %broadcast_in_dim3A_135, %broadcast_in_dim3A_132 : vector<16xi1>, vector<16xi32>
      %eq3A_137 = arith.cmpf oeq, %select_n3A_111, %max3A_130 : vector<16xf32>
      %jit3A_138 = arith.constant 5 : i32
      %broadcast_in_dim3A_139 = vector.broadcast %jit3A_138 : i32 to vector<16xi32>
      %select_n3A_140 = arith.select %eq3A_137, %broadcast_in_dim3A_139, %select_n3A_136 : vector<16xi1>, vector<16xi32>
      %eq3A_141 = arith.cmpf oeq, %select_n3A_105, %max3A_130 : vector<16xf32>
      %jit3A_142 = arith.constant 4 : i32
      %broadcast_in_dim3A_143 = vector.broadcast %jit3A_142 : i32 to vector<16xi32>
      %select_n3A_144 = arith.select %eq3A_141, %broadcast_in_dim3A_143, %select_n3A_140 : vector<16xi1>, vector<16xi32>
      %eq3A_145 = arith.cmpf oeq, %select_n3A_99, %max3A_130 : vector<16xf32>
      %jit3A_146 = arith.constant 3 : i32
      %broadcast_in_dim3A_147 = vector.broadcast %jit3A_146 : i32 to vector<16xi32>
      %select_n3A_148 = arith.select %eq3A_145, %broadcast_in_dim3A_147, %select_n3A_144 : vector<16xi1>, vector<16xi32>
      %eq3A_149 = arith.cmpf oeq, %select_n3A_93, %max3A_130 : vector<16xf32>
      %jit3A_150 = arith.constant 2 : i32
      %broadcast_in_dim3A_151 = vector.broadcast %jit3A_150 : i32 to vector<16xi32>
      %select_n3A_152 = arith.select %eq3A_149, %broadcast_in_dim3A_151, %select_n3A_148 : vector<16xi1>, vector<16xi32>
      %eq3A_153 = arith.cmpf oeq, %select_n3A_87, %max3A_130 : vector<16xf32>
      %jit3A_154 = arith.constant 1 : i32
      %broadcast_in_dim3A_155 = vector.broadcast %jit3A_154 : i32 to vector<16xi32>
      %select_n3A_156 = arith.select %eq3A_153, %broadcast_in_dim3A_155, %select_n3A_152 : vector<16xi1>, vector<16xi32>
      %eq3A_157 = arith.cmpf oeq, %select_n3A_81, %max3A_130 : vector<16xf32>
      %jit3A_158 = arith.constant 0 : i32
      %broadcast_in_dim3A_159 = vector.broadcast %jit3A_158 : i32 to vector<16xi32>
      %select_n3A_160 = arith.select %eq3A_157, %broadcast_in_dim3A_159, %select_n3A_156 : vector<16xi1>, vector<16xi32>
      %sub3A = arith.subf %max3A_130, %max3A_49 : vector<16xf32>
      %exp3A = math.exp %sub3A : vector<16xf32>
      %add3A_161 = arith.constant 1.000000e+00 : f32
      %add3A_162 = vector.broadcast %add3A_161 : f32 to vector<16xf32>
      %add3A_163 = arith.addf %add3A_162, %exp3A : vector<16xf32>
      %div3A = arith.constant 1.000000e+00 : f32
      %div3A_164 = vector.broadcast %div3A : f32 to vector<16xf32>
      %div3A_165 = arith.divf %div3A_164, %add3A_163 : vector<16xf32>
      %mul3A_166 = arith.mulf %exp3A, %div3A_165 : vector<16xf32>
      %broadcast_in_dim3A_167 = arith.constant 0.000000e+00 : f32
      %broadcast_in_dim3A_168 = vector.broadcast %broadcast_in_dim3A_167 : f32 to vector<16xf32>
      %eq3A_169 = arith.constant 0 : i32
      %eq3A_170 = vector.broadcast %eq3A_169 : i32 to vector<16xi32>
      %eq3A_171 = arith.cmpi eq, %select_n3A_75, %eq3A_170 : vector<16xi32>
      %eq3A_172 = arith.constant 0 : i32
      %eq3A_173 = vector.broadcast %eq3A_172 : i32 to vector<16xi32>
      %eq3A_174 = arith.cmpi eq, %select_n3A_160, %eq3A_173 : vector<16xi32>
      %select_n3A_175 = arith.select %eq3A_174, %mul3A_166, %broadcast_in_dim3A_168 : vector<16xi1>, vector<16xf32>
      %select_n3A_176 = arith.select %eq3A_171, %div3A_165, %select_n3A_175 : vector<16xi1>, vector<16xf32>
      %swap3A = arith.constant 0 : i32
      %swap3A_177 = arith.index_cast %swap3A : i32 to index
      %swap3A_178 = arith.index_cast %mul3A_12 : i32 to index
      %swap3A_179 = tpu.vector_load %arg6[%swap3A_177, %swap3A_178] {strides = array<i32>} : memref<8x1024xf32, #tpu.memory_space<vmem>>, vector<16xf32>,
      tpu.vector_store %arg6[%swap3A_177, %swap3A_178], %select_n3A_176 {strides = array<i32>} : memref<8x1024xf32, #tpu.memory_space<vmem>>, vector<16xf32>,
      %eq3A_180 = arith.constant 1 : i32
      %eq3A_181 = vector.broadcast %eq3A_180 : i32 to vector<16xi32>
      %eq3A_182 = arith.cmpi eq, %select_n3A_75, %eq3A_181 : vector<16xi32>
      %eq3A_183 = arith.constant 1 : i32
      %eq3A_184 = vector.broadcast %eq3A_183 : i32 to vector<16xi32>
      %eq3A_185 = arith.cmpi eq, %select_n3A_160, %eq3A_184 : vector<16xi32>
      %select_n3A_186 = arith.select %eq3A_185, %mul3A_166, %broadcast_in_dim3A_168 : vector<16xi1>, vector<16xf32>
      %select_n3A_187 = arith.select %eq3A_182, %div3A_165, %select_n3A_186 : vector<16xi1>, vector<16xf32>
      %swap3A_188 = arith.constant 1 : i32
      %swap3A_189 = arith.index_cast %swap3A_188 : i32 to index
      %swap3A_190 = arith.index_cast %mul3A_12 : i32 to index
      %swap3A_191 = tpu.vector_load %arg6[%swap3A_189, %swap3A_190] {strides = array<i32>} : memref<8x1024xf32, #tpu.memory_space<vmem>>, vector<16xf32>,
      tpu.vector_store %arg6[%swap3A_189, %swap3A_190], %select_n3A_187 {strides = array<i32>} : memref<8x1024xf32, #tpu.memory_space<vmem>>, vector<16xf32>,
      %eq3A_192 = arith.constant 2 : i32
      %eq3A_193 = vector.broadcast %eq3A_192 : i32 to vector<16xi32>
      %eq3A_194 = arith.cmpi eq, %select_n3A_75, %eq3A_193 : vector<16xi32>
      %eq3A_195 = arith.constant 2 : i32
      %eq3A_196 = vector.broadcast %eq3A_195 : i32 to vector<16xi32>
      %eq3A_197 = arith.cmpi eq, %select_n3A_160, %eq3A_196 : vector<16xi32>
      %select_n3A_198 = arith.select %eq3A_197, %mul3A_166, %broadcast_in_dim3A_168 : vector<16xi1>, vector<16xf32>
      %select_n3A_199 = arith.select %eq3A_194, %div3A_165, %select_n3A_198 : vector<16xi1>, vector<16xf32>
      %swap3A_200 = arith.constant 2 : i32
      %swap3A_201 = arith.index_cast %swap3A_200 : i32 to index
      %swap3A_202 = arith.index_cast %mul3A_12 : i32 to index
      %swap3A_203 = tpu.vector_load %arg6[%swap3A_201, %swap3A_202] {strides = array<i32>} : memref<8x1024xf32, #tpu.memory_space<vmem>>, vector<16xf32>,
      tpu.vector_store %arg6[%swap3A_201, %swap3A_202], %select_n3A_199 {strides = array<i32>} : memref<8x1024xf32, #tpu.memory_space<vmem>>, vector<16xf32>,
      %eq3A_204 = arith.constant 3 : i32
      %eq3A_205 = vector.broadcast %eq3A_204 : i32 to vector<16xi32>
      %eq3A_206 = arith.cmpi eq, %select_n3A_75, %eq3A_205 : vector<16xi32>
      %eq3A_207 = arith.constant 3 : i32
      %eq3A_208 = vector.broadcast %eq3A_207 : i32 to vector<16xi32>
      %eq3A_209 = arith.cmpi eq, %select_n3A_160, %eq3A_208 : vector<16xi32>
      %select_n3A_210 = arith.select %eq3A_209, %mul3A_166, %broadcast_in_dim3A_168 : vector<16xi1>, vector<16xf32>
      %select_n3A_211 = arith.select %eq3A_206, %div3A_165, %select_n3A_210 : vector<16xi1>, vector<16xf32>
      %swap3A_212 = arith.constant 3 : i32
      %swap3A_213 = arith.index_cast %swap3A_212 : i32 to index
      %swap3A_214 = arith.index_cast %mul3A_12 : i32 to index
      %swap3A_215 = tpu.vector_load %arg6[%swap3A_213, %swap3A_214] {strides = array<i32>} : memref<8x1024xf32, #tpu.memory_space<vmem>>, vector<16xf32>,
      tpu.vector_store %arg6[%swap3A_213, %swap3A_214], %select_n3A_211 {strides = array<i32>} : memref<8x1024xf32, #tpu.memory_space<vmem>>, vector<16xf32>,
      %eq3A_216 = arith.constant 4 : i32
      %eq3A_217 = vector.broadcast %eq3A_216 : i32 to vector<16xi32>
      %eq3A_218 = arith.cmpi eq, %select_n3A_75, %eq3A_217 : vector<16xi32>
      %eq3A_219 = arith.constant 4 : i32
      %eq3A_220 = vector.broadcast %eq3A_219 : i32 to vector<16xi32>
      %eq3A_221 = arith.cmpi eq, %select_n3A_160, %eq3A_220 : vector<16xi32>
      %select_n3A_222 = arith.select %eq3A_221, %mul3A_166, %broadcast_in_dim3A_168 : vector<16xi1>, vector<16xf32>
      %select_n3A_223 = arith.select %eq3A_218, %div3A_165, %select_n3A_222 : vector<16xi1>, vector<16xf32>
      %swap3A_224 = arith.constant 4 : i32
      %swap3A_225 = arith.index_cast %swap3A_224 : i32 to index
      %swap3A_226 = arith.index_cast %mul3A_12 : i32 to index
      %swap3A_227 = tpu.vector_load %arg6[%swap3A_225, %swap3A_226] {strides = array<i32>} : memref<8x1024xf32, #tpu.memory_space<vmem>>, vector<16xf32>,
      tpu.vector_store %arg6[%swap3A_225, %swap3A_226], %select_n3A_223 {strides = array<i32>} : memref<8x1024xf32, #tpu.memory_space<vmem>>, vector<16xf32>,
      %eq3A_228 = arith.constant 5 : i32
      %eq3A_229 = vector.broadcast %eq3A_228 : i32 to vector<16xi32>
      %eq3A_230 = arith.cmpi eq, %select_n3A_75, %eq3A_229 : vector<16xi32>
      %eq3A_231 = arith.constant 5 : i32
      %eq3A_232 = vector.broadcast %eq3A_231 : i32 to vector<16xi32>
      %eq3A_233 = arith.cmpi eq, %select_n3A_160, %eq3A_232 : vector<16xi32>
      %select_n3A_234 = arith.select %eq3A_233, %mul3A_166, %broadcast_in_dim3A_168 : vector<16xi1>, vector<16xf32>
      %select_n3A_235 = arith.select %eq3A_230, %div3A_165, %select_n3A_234 : vector<16xi1>, vector<16xf32>
      %swap3A_236 = arith.constant 5 : i32
      %swap3A_237 = arith.index_cast %swap3A_236 : i32 to index
      %swap3A_238 = arith.index_cast %mul3A_12 : i32 to index
      %swap3A_239 = tpu.vector_load %arg6[%swap3A_237, %swap3A_238] {strides = array<i32>} : memref<8x1024xf32, #tpu.memory_space<vmem>>, vector<16xf32>,
      tpu.vector_store %arg6[%swap3A_237, %swap3A_238], %select_n3A_235 {strides = array<i32>} : memref<8x1024xf32, #tpu.memory_space<vmem>>, vector<16xf32>,
      %eq3A_240 = arith.constant 6 : i32
      %eq3A_241 = vector.broadcast %eq3A_240 : i32 to vector<16xi32>
      %eq3A_242 = arith.cmpi eq, %select_n3A_75, %eq3A_241 : vector<16xi32>
      %eq3A_243 = arith.constant 6 : i32
      %eq3A_244 = vector.broadcast %eq3A_243 : i32 to vector<16xi32>
      %eq3A_245 = arith.cmpi eq, %select_n3A_160, %eq3A_244 : vector<16xi32>
      %select_n3A_246 = arith.select %eq3A_245, %mul3A_166, %broadcast_in_dim3A_168 : vector<16xi1>, vector<16xf32>
      %select_n3A_247 = arith.select %eq3A_242, %div3A_165, %select_n3A_246 : vector<16xi1>, vector<16xf32>
      %swap3A_248 = arith.constant 6 : i32
      %swap3A_249 = arith.index_cast %swap3A_248 : i32 to index
      %swap3A_250 = arith.index_cast %mul3A_12 : i32 to index
      %swap3A_251 = tpu.vector_load %arg6[%swap3A_249, %swap3A_250] {strides = array<i32>} : memref<8x1024xf32, #tpu.memory_space<vmem>>, vector<16xf32>,
      tpu.vector_store %arg6[%swap3A_249, %swap3A_250], %select_n3A_247 {strides = array<i32>} : memref<8x1024xf32, #tpu.memory_space<vmem>>, vector<16xf32>,
      %eq3A_252 = arith.constant 7 : i32
      %eq3A_253 = vector.broadcast %eq3A_252 : i32 to vector<16xi32>
      %eq3A_254 = arith.cmpi eq, %select_n3A_75, %eq3A_253 : vector<16xi32>
      %eq3A_255 = arith.constant 7 : i32
      %eq3A_256 = vector.broadcast %eq3A_255 : i32 to vector<16xi32>
      %eq3A_257 = arith.cmpi eq, %select_n3A_160, %eq3A_256 : vector<16xi32>
      %select_n3A_258 = arith.select %eq3A_257, %mul3A_166, %broadcast_in_dim3A_168 : vector<16xi1>, vector<16xf32>
      %select_n3A_259 = arith.select %eq3A_254, %div3A_165, %select_n3A_258 : vector<16xi1>, vector<16xf32>
      %swap3A_260 = arith.constant 7 : i32
      %swap3A_261 = arith.index_cast %swap3A_260 : i32 to index
      %swap3A_262 = arith.index_cast %mul3A_12 : i32 to index
      %swap3A_263 = tpu.vector_load %arg6[%swap3A_261, %swap3A_262] {strides = array<i32>} : memref<8x1024xf32, #tpu.memory_space<vmem>>, vector<16xf32>,
      tpu.vector_store %arg6[%swap3A_261, %swap3A_262], %select_n3A_259 {strides = array<i32>} : memref<8x1024xf32, #tpu.memory_space<vmem>>, vector<16xf32>,
      %swap3A_264 = arith.constant 0 : i32
      %swap3A_265 = arith.index_cast %swap3A_264 : i32 to index
      %swap3A_266 = arith.index_cast %mul3A_12 : i32 to index
      %swap3A_267 = tpu.vector_load %arg7[%swap3A_265, %swap3A_266] {strides = array<i32>} : memref<2x1024xi32, #tpu.memory_space<vmem>>, vector<16xi32>,
      tpu.vector_store %arg7[%swap3A_265, %swap3A_266], %select_n3A_75 {strides = array<i32>} : memref<2x1024xi32, #tpu.memory_space<vmem>>, vector<16xi32>,
      %swap3A_268 = arith.constant 1 : i32
      %swap3A_269 = arith.index_cast %swap3A_268 : i32 to index
      %swap3A_270 = arith.index_cast %mul3A_12 : i32 to index
      %swap3A_271 = tpu.vector_load %arg7[%swap3A_269, %swap3A_270] {strides = array<i32>} : memref<2x1024xi32, #tpu.memory_space<vmem>>, vector<16xi32>,
      tpu.vector_store %arg7[%swap3A_269, %swap3A_270], %select_n3A_160 {strides = array<i32>} : memref<2x1024xi32, #tpu.memory_space<vmem>>, vector<16xi32>,
      %scan3A_272 = arith.constant 0 : i32
      scf.yield %scan3A_272 : i32
    }
    %scan3A_8 = arith.constant 64 : i32
    "tpu.region"() ({
      %run_scoped3A = tpu.sem_alloc : memref<!tpu.dma_semaphore, #tpu.memory_space<semaphore_mem>>
      %dma_start3A = arith.constant 0 : i32
      %dma_start3A_9 = tpu.memref_slice %arg3[%dma_start3A, %mul3A_2] : memref<8x32768xf32, #tpu.memory_space<hbm>> -> memref<8x1024xf32, #tpu.memory_space<hbm>>
      %dma_start3A_10 = arith.constant 0 : i32
      %dma_start3A_11 = tpu.memref_slice %arg3[%dma_start3A_10, %mul3A_2] : memref<8x32768xf32, #tpu.memory_space<hbm>> -> memref<8x1024xf32, #tpu.memory_space<hbm>>
      tpu.enqueue_dma source(%arg6 : memref<8x1024xf32, #tpu.memory_space<vmem>>) target(%dma_start3A_11 : memref<8x1024xf32, #tpu.memory_space<hbm>>) target_semaphore(%run_scoped3A : memref<!tpu.dma_semaphore, #tpu.memory_space<semaphore_mem>>)
      %dma_wait3A = arith.constant 0 : i32
      %dma_wait3A_12 = tpu.memref_slice %arg3[%dma_wait3A, %mul3A_2] : memref<8x32768xf32, #tpu.memory_space<hbm>> -> memref<8x1024xf32, #tpu.memory_space<hbm>>
      %dma_wait3A_13 = arith.constant 0 : i32
      %dma_wait3A_14 = tpu.memref_slice %arg3[%dma_wait3A_13, %mul3A_2] : memref<8x32768xf32, #tpu.memory_space<hbm>> -> memref<8x1024xf32, #tpu.memory_space<hbm>>
      tpu.wait_dma2 semaphore(%run_scoped3A : memref<!tpu.dma_semaphore, #tpu.memory_space<semaphore_mem>>) src(%arg6 : memref<8x1024xf32, #tpu.memory_space<vmem>>) dst(%dma_wait3A_14 : memref<8x1024xf32, #tpu.memory_space<hbm>>)
      tpu.yield
    }) : () -> ()
    "tpu.region"() ({
      %run_scoped3A = tpu.sem_alloc : memref<!tpu.dma_semaphore, #tpu.memory_space<semaphore_mem>>
      %dma_start3A = arith.constant 0 : i32
      %dma_start3A_9 = tpu.memref_slice %arg4[%dma_start3A, %mul3A_2] : memref<2x32768xi32, #tpu.memory_space<hbm>> -> memref<2x1024xi32, #tpu.memory_space<hbm>>
      %dma_start3A_10 = arith.constant 0 : i32
      %dma_start3A_11 = tpu.memref_slice %arg4[%dma_start3A_10, %mul3A_2] : memref<2x32768xi32, #tpu.memory_space<hbm>> -> memref<2x1024xi32, #tpu.memory_space<hbm>>
      tpu.enqueue_dma source(%arg7 : memref<2x1024xi32, #tpu.memory_space<vmem>>) target(%dma_start3A_11 : memref<2x1024xi32, #tpu.memory_space<hbm>>) target_semaphore(%run_scoped3A : memref<!tpu.dma_semaphore, #tpu.memory_space<semaphore_mem>>)
      %dma_wait3A = arith.constant 0 : i32
      %dma_wait3A_12 = tpu.memref_slice %arg4[%dma_wait3A, %mul3A_2] : memref<2x32768xi32, #tpu.memory_space<hbm>> -> memref<2x1024xi32, #tpu.memory_space<hbm>>
      %dma_wait3A_13 = arith.constant 0 : i32
      %dma_wait3A_14 = tpu.memref_slice %arg4[%dma_wait3A_13, %mul3A_2] : memref<2x32768xi32, #tpu.memory_space<hbm>> -> memref<2x1024xi32, #tpu.memory_space<hbm>>
      tpu.wait_dma2 semaphore(%run_scoped3A : memref<!tpu.dma_semaphore, #tpu.memory_space<semaphore_mem>>) src(%arg7 : memref<2x1024xi32, #tpu.memory_space<vmem>>) dst(%dma_wait3A_14 : memref<2x1024xi32, #tpu.memory_space<hbm>>)
      tpu.yield
    }) : () -> ()
    return
  }
}

module attributes {stable_mosaic.version = 14 : i64} {
  func.func @_logits_body(%arg0: i32, %arg1: memref<4096x768xf32, #tpu.memory_space<vmem>>, %arg2: memref<8x768xf32, #tpu.memory_space<vmem>>, %arg3: memref<8x1xf32, #tpu.memory_space<vmem>>, %arg4: memref<8x4096xf32, #tpu.memory_space<vmem>>) attributes {dimension_semantics = [#tpu.dimension_semantics<arbitrary>], iteration_bounds = array<i64: 8>, scalar_prefetch = 0 : i64, scratch_operands = 0 : i64, tpu.core_type = #tpu.core_type<tc>, window_params = [{transform_indices = @transform_0, window_bounds = array<i64: 4096, 768>}, {pipeline_mode = #tpu.pipeline_mode<synchronous>, transform_indices = @transform_1, window_bounds = array<i64: 8, 768>}, {pipeline_mode = #tpu.pipeline_mode<synchronous>, transform_indices = @transform_2, window_bounds = array<i64: 8, 1>}, {transform_indices = @transform_3, window_bounds = array<i64: 8, 4096>}]} {
    %get3A = arith.constant 0 : index
    %get3A_0 = arith.constant 0 : index
    %get3A_1 = vector.load %arg2[%get3A, %get3A_0] : memref<8x768xf32, #tpu.memory_space<vmem>>, vector<8x768xf32>
    %get3A_2 = arith.constant 0 : index
    %get3A_3 = arith.constant 0 : index
    %get3A_4 = vector.load %arg1[%get3A_2, %get3A_3] : memref<4096x768xf32, #tpu.memory_space<vmem>>, vector<4096x768xf32>
    %dot_general3A = arith.constant dense<0.000000e+00> : vector<8x4096xf32>
    %dot_general3A_5 = tpu.matmul %get3A_1, %get3A_4, %dot_general3A {dimension_numbers = #tpu.dot_dimension_numbers<[1], [1], [0], [0], [0, 0, 1, 0], [], []>, transpose_lhs_hint = false} : vector<8x768xf32>, vector<4096x768xf32>, vector<8x4096xf32> -> vector<8x4096xf32>
    %get3A_6 = arith.constant 0 : index
    %get3A_7 = arith.constant 0 : index
    %get3A_8 = vector.load %arg3[%get3A_6, %get3A_7] : memref<8x1xf32, #tpu.memory_space<vmem>>, vector<8x1xf32>
    %add3A = vector.broadcast %get3A_8 : vector<8x1xf32> to vector<8x4096xf32>
    %add3A_9 = arith.addf %dot_general3A_5, %add3A : vector<8x4096xf32>
    %swap3A = arith.constant 0 : index
    %swap3A_10 = arith.constant 0 : index
    %swap3A_11 = vector.load %arg4[%swap3A, %swap3A_10] : memref<8x4096xf32, #tpu.memory_space<vmem>>, vector<8x4096xf32>
    tpu.vector_store %arg4[%swap3A, %swap3A_10], %add3A_9 {strides = array<i32>} : memref<8x4096xf32, #tpu.memory_space<vmem>>, vector<8x4096xf32>,
    return
  }
  func.func @transform_0(%arg0: i32) -> (i32, i32) {
    %c0_i32 = arith.constant 0 : i32
    %c0_i32_0 = arith.constant 0 : i32
    return %arg0, %c0_i32 : i32, i32
  }
  func.func @transform_1(%arg0: i32) -> (i32, i32) {
    %c0_i32 = arith.constant 0 : i32
    %c0_i32_0 = arith.constant 0 : i32
    %c0_i32_1 = arith.constant 0 : i32
    return %c0_i32, %c0_i32_0 : i32, i32
  }
  func.func @transform_2(%arg0: i32) -> (i32, i32) {
    %c0_i32 = arith.constant 0 : i32
    %c0_i32_0 = arith.constant 0 : i32
    %c0_i32_1 = arith.constant 0 : i32
    return %c0_i32, %c0_i32_0 : i32, i32
  }
  func.func @transform_3(%arg0: i32) -> (i32, i32) {
    %c0_i32 = arith.constant 0 : i32
    %c0_i32_0 = arith.constant 0 : i32
    return %c0_i32, %arg0 : i32, i32
  }
}

</mosaic_0001>

<sc_bundles>
// kernel: kernel.4.cloned.1.call-start
scs
__scs_entry_jumppad:
0x0: {  	(pc) =	sbr.rel $0x88, $3  }
0x1: {  	(tag) =	ssettag $0x0;
	lr =	simm.s32 $0x1  }
0x2: {  	[smem:$0x3F9E] =	sst lr;
	_ =	strace $0xD0000000  }
0x3: {  	_ = 	snop  }
0x4: {  	_ = 	snop  }
0x5: {  	_ = 	snop  }
0x6: {  	_ = 	snop  }
0x7: {  	_ = 	snop  }
__scs_overlays_trampoline_lowered:
0x8: {  	[smem:$0x3FAD] =	sst s0  }
0x9: {  	[smem:$0x3FAE] =	sst s1  }
0xa: {  	[smem:$0x3FAF] =	sst s2  }
0xb: {  	[smem:$0x3FB0] =	sst s3  }
0xc: {  	[smem:$0x3FB1] =	sst s4  }
0xd: {  	[smem:$0x3FB2] =	sst s5  }
0xe: {  	[smem:$0x3FB3] =	sst s6  }
0xf: {  	[smem:$0x3FB4] =	sst s7  }
0x10: {  	[smem:$0x3FB5] =	sst s8  }
0x11: {  	[smem:$0x3FB6] =	sst s9;
	s0 =	simm.s32 @!p0 $0x0  }
0x12: {  	s1 =	sld [smem:$0x3F9C];
	s0 =	simm.s32 @p0 $0x1  }
0x13: {  	[smem:$0x3FB7] =	sst s0;
	s0 =	simm.s32 @!p1 $0x0  }
0x14: {  	s2 =	sld [smem:$0x3F9B];
	s0 =	simm.s32 @p1 $0x1  }
0x15: {  	[smem:$0x3FB8] =	sst s0;
	s0 =	simm.s32 @!p2 $0x0  }
0x16: {  	s3 =	sld [smem:$0x3FDB];
	s0 =	simm.s32 @p2 $0x1  }
0x17: {  	s4 =	simm.s32 $0x1BF5;
	[smem:$0x3FBA] =	sst s0  }
0x18: {  	s0 =	sld [smem:$0x3F9D];
	_ =	swait.ge [sflag:s4], $0x0  }
0x19: {  	s7 =	sld [smem:$0x3F9E]  }
0x1a: {  	s8 =	sadd.s32 $0xFFFFE003, lr  }
0x1b: {  	s9 =	sadd.s32 $0xFFFFFEF7, lr;
	s5 =	simm.s32 $0xFFFFFFFF;
	p2 =	slt.u32 s8, $0xFFFFF086  }
0x1c: {  	p1 =	slt.u32 s9, $0xF7A;
	s5 =	simm.s32 @!p2 $0x0  }
0x1d: {  	s5 =	simm.s32 @p1 $0x1;
	p0 =	seq.s32 s7, s2  }
0x1e: {  	s7 =	smul.u32 @!p0 $0xF7A, s2;
	p2 =	seq.s32 @!p0 s5, $0x0  }
0x1f: {  	s9 =	smul.u32 $0xF7A, s1;
	s8 =	simm.s32 @!p0 $0x1BF5;
	p2 =	por !p2, p0  }
0x20: {  	[sflag:s8] =	ssyncset.s32 @!p0 $0xFFFFF086;
	s6 =	sadd.s32 @!p0 s3, s7;
	s7 =	simm.s32 @!p0 $0x108  }
0x21: {  	s3 =	sadd.s32 s3, s9;
	s6 =	sadd.s32 @!p0 $0x88, s6;
	s7 =	simm.s32 @p2 $0x1082  }
0x22: {  	[simem:s7], [sflag:s8] =	dma.local @!p0 [hbm:s6], $0xF7A  }
0x23: {  	s9 =	sor.u32 $0xD0000000, s2;
	s6 =	simm.s32 $0x108;
	_ =	swait.ge @!p0 [sflag:s8], $0x0  }
0x24: {  	s3 =	sadd.s32 $0x88, s3;
	s6 =	simm.s32 @!p1 $0x1082;
	[sflag:s4] =	ssyncset.s32 $0xFFFFF086  }
0x25: {  	[simem:s6], [sflag:s4] =	dma.local [hbm:s3], $0xF7A  }
0x26: {  	[smem:$0x3F9E] =	sst s1;
	(tag) =	ssettag s2;
	_ =	strace s9  }
0x27: {  	s1 =	sld [smem:$0x3FAE]  }
0x28: {  	s2 =	sld [smem:$0x3FAF]  }
0x29: {  	s4 =	sld [smem:$0x3FB1]  }
0x2a: {  	p0 =	seq.s32 s5, $0x0;
	s5 =	sld [smem:$0x3FB2]  }
0x2b: {  	s6 =	sld [smem:$0x3FB3]  }
0x2c: {  	s7 =	sld [smem:$0x3FB4]  }
0x2d: {  	s3 =	simm.s32 $0x108;
	s8 =	sld [smem:$0x3FB5]  }
0x2e: {  	s3 =	simm.s32 @!p0 $0x1082;
	s9 =	sld [smem:$0x3FB6]  }
0x2f: {  	lr =	sadd.s32 s0, s3;
	s0 =	sld [smem:$0x3FAD]  }
0x30: {  	s3 =	sld [smem:$0x3FB0]  }
0x31: {  	[smem:$0x3FB9] =	sst s10  }
0x32: {  	s10 =	sld [smem:$0x3FB7];
	_ =	sdelay $0x3  }
0x33: {  	p0 =	seq.s32 s10, $0x1;
	s10 =	sld [smem:$0x3FB9];
	_ =	sdelay $0x3  }
0x34: {  	[smem:$0x3FB9] =	sst s10  }
0x35: {  	s10 =	sld [smem:$0x3FB8];
	_ =	sdelay $0x3  }
0x36: {  	p1 =	seq.s32 s10, $0x1;
	s10 =	sld [smem:$0x3FB9];
	_ =	sdelay $0x3  }
0x37: {  	[smem:$0x3FB9] =	sst s10  }
0x38: {  	s10 =	sld [smem:$0x3FBA]  }
0x39: {  	_ = 	snop;
	(pc) =	sbr.ind lr, $3  }
0x3a: {  	_ = 	snop  }
0x3b: {  	_ = 	snop  }
0x3c: {  	p2 =	seq.s32 s10, $0x1;
	s10 =	sld [smem:$0x3FB9]  }
0x3d: {  	_ =	shalt  }
0x3e: {  	_ =	shalt  }
0x3f: {  	_ =	shalt  }
0x40: {  	_ =	shalt  }
0x41: {  	_ =	shalt  }
0x42: {  	_ =	shalt  }
0x43: {  	_ =	shalt  }
0x44: {  	_ =	shalt  }
0x45: {  	_ =	shalt  }
0x46: {  	_ =	shalt  }
0x47: {  	_ =	shalt  }
0x48: {  	_ =	shalt  }
0x49: {  	_ =	shalt  }
0x4a: {  	_ =	shalt  }
0x4b: {  	_ =	shalt  }
0x4c: {  	_ =	shalt  }
0x4d: {  	_ =	shalt  }
0x4e: {  	_ =	shalt  }
0x4f: {  	_ =	shalt  }
0x50: {  	_ =	shalt  }
0x51: {  	_ =	shalt  }
0x52: {  	_ =	shalt  }
0x53: {  	_ =	shalt  }
0x54: {  	_ =	shalt  }
0x55: {  	_ =	shalt  }
0x56: {  	_ =	shalt  }
0x57: {  	_ =	shalt  }
0x58: {  	_ =	shalt  }
0x59: {  	_ =	shalt  }
0x5a: {  	_ =	shalt  }
0x5b: {  	_ =	shalt  }
0x5c: {  	_ =	shalt  }
0x5d: {  	_ =	shalt  }
0x5e: {  	_ =	shalt  }
0x5f: {  	_ =	shalt  }
0x60: {  	_ =	shalt  }
0x61: {  	_ =	shalt  }
0x62: {  	_ =	shalt  }
0x63: {  	_ =	shalt  }
0x64: {  	_ =	shalt  }
0x65: {  	_ =	shalt  }
0x66: {  	_ =	shalt  }
0x67: {  	_ =	shalt  }
0x68: {  	_ =	shalt  }
0x69: {  	_ =	shalt  }
0x6a: {  	_ =	shalt  }
0x6b: {  	_ =	shalt  }
0x6c: {  	_ =	shalt  }
0x6d: {  	_ =	shalt  }
0x6e: {  	_ =	shalt  }
0x6f: {  	_ =	shalt  }
0x70: {  	_ =	shalt  }
0x71: {  	_ =	shalt  }
0x72: {  	_ =	shalt  }
0x73: {  	_ =	shalt  }
0x74: {  	_ =	shalt  }
0x75: {  	_ =	shalt  }
0x76: {  	_ =	shalt  }
0x77: {  	_ =	shalt  }
0x78: {  	_ =	shalt  }
0x79: {  	_ =	shalt  }
0x7a: {  	_ =	shalt  }
0x7b: {  	_ =	shalt  }
0x7c: {  	_ =	shalt  }
0x7d: {  	_ =	shalt  }
0x7e: {  	_ =	shalt  }
0x7f: {  	_ =	shalt  }
0x80: {  	_ =	shalt  }
0x81: {  	_ =	shalt  }
0x82: {  	_ =	shalt  }
0x83: {  	_ =	shalt  }
0x84: {  	_ =	shalt  }
0x85: {  	_ =	shalt  }
0x86: {  	_ =	shalt  }
0x87: {  	_ =	shalt  }
.Lfunc_end0:
.L_simem_size_0:
called_computation_lowered:
.L_overlay_start_0:
0x88: {  	s2 =	sld [smem:$0x3FD9]  }
0x89: {  	s3 =	sld [smem:$0x3FFE];
	_ =	sdelay $0x1  }
0x8a: {  	s1 =	srdreg.scid  }
0x8b: {  	s0 =	sand.u32 $0x1, s1  }
0x8c: {  	s14 =	sshll.u32 s0, $0xA;
	s2 =	sadd.s32 s3, s2  }
0x8d: {  	s2 =	sadd.s32 s2, s14  }
0x8e: {  	[smem:$0x3FC5] =	sst s2  }
0x8f: {  	_ = 	snop  }
0x90: {  	s2 =	sld [smem:$0x3FD0];
	_ =	sdelay $0x2  }
0x91: {  	s15 =	simm.s32 $0xA;
	s4 =	simm.s32 $0x10  }
0x92: {  	[smem:s4], [sflag:s15] =	dma.local [hbm:s2], $0x1  }
0x93: {  	_ =	swait.eq [sflag:s15], $0x1  }
0x94: {  	[sflag:s15] =	ssyncset.done $0x0  }
0x95: {  	s16 =	sld [smem:$0x10];
	[sflag:s15] =	ssyncadd.s32 $0xFFFFFFFF  }
0x96: {  	s17 =	sld [smem:$0x11];
	(tm) =	ssettm $0x1  }
0x97: {  	s18 =	sld [smem:$0x3FFB];
	_ =	sdelay $0x3  }
0x98: {  	_ =	strace s18  }
0x99: {  	s4 =	sld [smem:$0x3FFC];
	_ =	sdelay $0x3  }
0x9a: {  	_ =	strace s4  }
0x9b: {  	s4 =	sld [smem:$0x3FFD];
	_ =	sdelay $0x3  }
0x9c: {  	_ =	strace s4  }
0x9d: {  	_ =	strace $0x8FFFFFFF  }
0x9e: {  	s19 =	sld [smem:$0x3FDB];
	_ =	sdelay $0x1  }
0x9f: {  	s5 =	simm.s32 $_scs_section_size  }
0xa0: {  	s6 =	simm.s32 $_size__tile_overlayer_lowered;
	s7 =	simm.s32 $_tile_overlayer_lowered  }
0xa1: {  	s22 =	simm.s32 $0x1BFF;
	s21 =	sshll.u32 s7, $0x1;
	s4 =	sadd.s32 s5, s19  }
0xa2: {  	s8 =	simm.s32 $0x0;
	s20 =	sshll.u32 s6, $0x1;
	s6 =	sadd.s32 s21, s4  }
0xa3: {  	[timem:s8], [sflag:s22] =	dma.local [hbm:s6], s20  }
0xa4: {  	_ =	swait.ge [sflag:s22], s20  }
0xa5: {  	s5 =	ssub.s32 $0x0, s20;
	[sflag:s22] =	ssyncset.done $0x0  }
0xa6: {  	[sflag:s22] =	ssyncadd.s32 s5;
	_ =	sdelay $0x1  }
0xa7: {  	s23 =	simm.s32 $0x1B8B  }
0xa8: {  	_ =	swait.ge [sflag:s23], $0x1  }
0xa9: {  	[sflag:s23] =	ssyncset.done $0x0  }
0xaa: {  	s25 =	simm.s32 $0x1B8E;
	s24 =	sld [smem:$0x3FFE];
	[sflag:s23] =	ssyncadd.s32 $0xFFFFFFFF  }
0xab: {  	s26 =	simm.s32 $execute0_lowered;
	[smem:$0x3FD2] =	sst s25  }
0xac: {  	s6 =	sshll.u32 s26, $0x1;
	_ =	strace $0x80000046;
	[dreg:$0x1] =	wrdreg $0xFFFFFFFF  }
0xad: {  	s28 =	simm.s32 $_size_execute0_lowered;
	s4 =	sadd.s32 s4, s6;
	[dreg:$0x0] =	wrdreg $0x0  }
0xae: {  	s6 =	sshll.u32 s28, $0x1;
	[dreg:$0x2] =	wrdreg s4  }
0xaf: {  	[dreg:$0x3] =	wrdreg s6  }
0xb0: {  	[dreg:$0x4] =	wrdreg $0xC0  }
0xb1: {  	_ =	task [dreg:s8], $0x5FFFF  }
0xb2: {  	[dreg:$0x1] =	wrdreg $0xFFFFFFFF  }
0xb3: {  	[dreg:$0x0] =	wrdreg $0x60  }
0xb4: {  	[dreg:$0x2] =	wrdreg s24  }
0xb5: {  	[dreg:$0x3] =	wrdreg s16  }
0xb6: {  	[dreg:$0x4] =	wrdreg s17  }
0xb7: {  	[dreg:$0x5] =	wrdreg $0x9  }
0xb8: {  	_ =	task.clear_ibuf [dreg:s8], $0x6FFFF;
	_ =	strace $0x90000046  }
0xb9: {  	s29 =	simm.s32 $0x9;
	_ =	strace $0x80000048  }
0xba: {  	_ =	swait.ge [sflag:s29], $0x1  }
0xbb: {  	[sflag:s29] =	ssyncadd.s32 $0xFFFFFFFF  }
0xbc: {  	_ =	strace $0x90000048  }
0xbd: {  	_ =	sfence  }
0xbe: {  	s30 =	sld [smem:$0x0];
	_ =	sdelay $0x2  }
0xbf: {  	s31 =	sshll.u32 s1, $0xD;
	s1 =	sshrl.u32 s1, $0x2  }
0xc0: {  	s3 =	sand.u32 $0x4000, s31;
	s1 =	sadd.s32 s1, s30  }
0xc1: {  	s0 =	sor.u32 s3, s0;
	s1 =	sshll.u32 s1, $0x11  }
0xc2: {  	s0 =	sor.u32 s1, s0  }
0xc3: {  	s0 =	sadd.s32 $0x8F2B, s0  }
0xc4: {  	[sflag:s0] =	ssyncadd.remote.s32 $0x1  }
0xc5: {  	_ =	sfence.sel $0xFFFF  }
0xc6: {  	[dreg:$0x0] =	wrdreg $0xFFFFFFFF;
	(pc) =	sbr.abs _section_cstart, $3  }
0xc7: {  	[dreg:$0x1] =	wrdreg $0xFFFFFFFF  }
0xc8: {  	_ =	task.clear_ibuf [dreg:s8], $0x2FFFF;
	_ =	strace $0x9FFFFFFF  }
0xc9: {  	(tm) =	ssettm $0x7FFFFFFF  }
tec
execute0_lowered:
.L_overlay_start_1:
0x0: {  	(tag) =	ssettag $0x1  }
0x1: {  	s3 =	rddreg [dreg:$0x0]  }
0x2: {  	s4 =	rddreg [dreg:$0x1]  }
0x3: {  	s5 =	rddreg [dreg:$0x2]  }
0x4: {  	s0 =	rddreg [dreg:$0x3];
	s6 =	srdreg.scid  }
0x5: {  	s2 =	simm.s32 $0x0;
	s1 =	stileid.u32;
	s9 =	simm.s32 $0x4000  }
0x6: {  	s10 =	simm.s32 $0x0;
	s6 =	sand.u32 $0x1, s6;
	s7 =	sshll.u32 s1, $0xB  }
0x7: {  	[smem:$0x7FF] =	sst s2;
	s8 =	sshll.u32 s6, $0xA;
	s6 =	ssub.s32 $0x2, s6  }
0x8: {  	_ =	strace $0x80000047;
	s7 =	sor.u32 s8, s7;
	s31 =	sshrl.u32 s6, $0x1  }
0x9: {  	s8 =	simm.s32 $0x2000;
	s3 =	sadd.s32 s7, s3;
	s6 =	ssub.s32 s6, s31  }
0xa: {  	s4 =	sadd.s32 s4, s7;
	s7 =	sshrl.u32 s7, $0x2;
	s3 =	sadd.s32 $0xC00, s3  }
0xb: {  	v0 =	vimm.s32 $0x7;
	s5 =	sadd.s32 s5, s7;
	s6 =	smax.u32 s6, $0x1;
	s7 =	simm.s32 $0x1  }
.LBB2_1:
0xc: {  	[tilespmem:s2], [sflag:$0x1] =	stream.linear.gather [hbm4b:s3+s2], $0x2000, $0x38;
	[tilespmem:$0x4800] =	vst v63  }
0xd: {  	_ =	swait.ge [sflag:s7], $0x2000  }
0xe: {  	s11 =	sand.u32 $0x70, s2;
	s14 =	sand.u32 $0x7FFFFC00, s2;
	[sflag:s7] =	ssyncset.done $0x0  }
0xf: {  	s12 =	sor.u32 s11, s14;
	[sflag:s7] =	ssyncadd.s32 $0xFFFFE000  }
0x10: {  	v2 =	vld [tilespmem:s12+$0x0]  }
0x11: {  	v3 =	vld [tilespmem:s12+$0x80]  }
0x12: {  	v4 =	vld [tilespmem:s12+$0x100]  }
0x13: {  	v5 =	vld [tilespmem:s12+$0x180]  }
0x14: {  	v6 =	vld [tilespmem:s12+$0x200]  }
0x15: {  	s13 =	sor.u32 s2, s2;
	v7 =	vld [tilespmem:s12+$0x280]  }
0x16: {  	s13 =	sor.u32 $0x380, s13;
	v8 =	vld [tilespmem:s12+$0x300];
	v1 =	vmax.f32 v2, v3  }
0x17: {  	v9 =	vld [tilespmem:s13+$0x0];
	v1 =	vmax.f32 v1, v4  }
0x18: {  	v1 =	vmax.f32 v1, v5  }
0x19: {  	v1 =	vmax.f32 v1, v6  }
0x1a: {  	v1 =	vmax.f32 v1, v7  }
0x1b: {  	v1 =	vmax.f32 v1, v8  }
0x1c: {  	v10 =	vmax.f32 v1, v9  }
0x1d: {  	vm0 =	veq.f32 v8, v10  }
0x1e: {  	vm1 =	veq.f32 v7, v10;
	v1 =	vsel vm0, $0x6, v0  }
0x1f: {  	vm0 =	veq.f32 v6, v10;
	v1 =	vsel vm1, $0x5, v1  }
0x20: {  	vm1 =	veq.f32 v5, v10;
	v1 =	vsel vm0, $0x4, v1  }
0x21: {  	vm0 =	veq.f32 v4, v10;
	v1 =	vsel vm1, $0x3, v1  }
0x22: {  	vm1 =	veq.f32 v3, v10;
	v1 =	vsel vm0, $0x2, v1  }
0x23: {  	vm6 =	vne.f32 v2, v10;
	v1 =	vsel vm1, $0x1, v1  }
0x24: {  	vm2 =	vmand vm6, vm1;
	v1 =	vnsel vm6, $0x0, v1  }
0x25: {  	v2 =	vnsel vm6, $0xFF800000, v2;
	v3 =	vsel vm2, $0xFF800000, v3;
	vm0 =	veq.s32 v1, $0x2  }
0x26: {  	v11 =	vmax.f32 v2, v3;
	vm7 =	veq.s32 v1, $0x3;
	v4 =	vsel vm0, $0xFF800000, v4  }
0x27: {  	vm1 =	veq.s32 v1, $0x4;
	v5 =	vsel vm7, $0xFF800000, v5;
	v11 =	vmax.f32 v11, v4  }
0x28: {  	vm3 =	veq.s32 v1, $0x5;
	v6 =	vsel vm1, $0xFF800000, v6;
	v11 =	vmax.f32 v11, v5  }
0x29: {  	vm4 =	veq.s32 v1, $0x6;
	v7 =	vsel vm3, $0xFF800000, v7;
	v11 =	vmax.f32 v11, v6  }
0x2a: {  	v8 =	vsel vm4, $0xFF800000, v8;
	v11 =	vmax.f32 v11, v7  }
0x2b: {  	v11 =	vmax.f32 v11, v8  }
0x2c: {  	vm5 =	veq.s32 v1, $0x7;
	v9 =	vmax.f32 v11, v9  }
0x2d: {  	v9 =	vsel vm5, v11, v9  }
0x2e: {  	v10 =	vsub.f32 v9, v10;
	_ =	sdelay $0x1  }
0x2f: {  	v10 =	vmul.f32 $1.442695020e+00, v10;
	_ =	sdelay $0x1  }
0x30: {  	(erf) = vpow2.f32 v10;
	_ =	sdelay $0x8  }
0x31: {  	v10 =	vpop (erf)  }
0x32: {  	v11 =	vadd.f32 $1.000000000e+00, v10;
	_ =	sdelay $0x1  }
0x33: {  	(erf) = vrcp.f32 v11  }
0x34: {  	vm8 =	veq.f32 v8, v9  }
0x35: {  	vm9 =	veq.f32 v7, v9;
	v7 =	vsel vm8, $0x6, v0  }
0x36: {  	vm8 =	veq.f32 v6, v9;
	v6 =	vsel vm9, $0x5, v7  }
0x37: {  	vm9 =	veq.f32 v5, v9;
	v5 =	vsel vm8, $0x4, v6  }
0x38: {  	vm8 =	veq.f32 v4, v9;
	v4 =	vsel vm9, $0x3, v5  }
0x39: {  	vm9 =	veq.f32 v3, v9;
	v3 =	vsel vm8, $0x2, v4;
	_ =	sdelay $0x2  }
0x3a: {  	vm10 =	vne.f32 v2, v9;
	v4 =	vsel vm9, $0x1, v3;
	v3 =	vpop (erf)  }
0x3b: {  	vm9 =	vmand vm10, vm9;
	v2 =	vnsel vm10, $0x0, v4;
	v4 =	vmul.f32 v3, v10  }
0x3c: {  	vm11 =	veq.s32 v2, $0x3;
	vm8 =	veq.s32 v2, $0x6;
	vm12 =	veq.s32 v2, $0x7  }
0x3d: {  	v5 =	vsel vm10, $0x0, v4;
	v7 =	vnsel vm9, $0x0, v4;
	vm9 =	veq.s32 v2, $0x4  }
0x3e: {  	v8 =	vnsel vm11, $0x0, v4;
	v6 =	vnsel vm12, $0x0, v4;
	v5 =	vsel vm6, v5, v3  }
0x3f: {  	s15 =	simm.s32 $0x80;
	s16 =	simm.s32 $0x0;
	s14 =	sshrl.u32 s14, $0x2;
	vm6 =	veq.s32 v2, $0x2;
	v8 =	vsel vm7, v3, v8;
	vm7 =	veq.s32 v2, $0x5  }
.LBB2_2:
0x40: {  	p0 =	sne.s32 s15, $0x1F80  }
0x41: {  	v7 =	vsel vm2, v3, v7;
	[tilespmem:s12+$0x2180] =	vst v8;
	v8 =	vnsel vm9, $0x0, v4;
	v9 =	vnsel vm7, $0x0, v4;
	s16 =	sadd.s32 $0x10, s16;
	s17 =	smov.u32 s15;
	s15 =	sadd.s32 $0x80, s15  }
0x42: {  	[tilespmem:s12+$0x2080] =	vst v7;
	v7 =	vsel vm1, v3, v8;
	v8 =	vsel vm3, v3, v9;
	v9 =	vnsel vm8, $0x0, v4  }
0x43: {  	v6 =	vsel vm5, v3, v6;
	[tilespmem:s12+$0x2280] =	vst v8;
	v8 =	vsel vm4, v3, v9  }
0x44: {  	v4 =	vnsel vm6, $0x0, v4;
	[tilespmem:s12+$0x2300] =	vst v8  }
0x45: {  	v3 =	vsel vm0, v3, v4;
	[tilespmem:s12+$0x2000] =	vst v5  }
0x46: {  	[tilespmem:s12+$0x2100] =	vst v3  }
0x47: {  	[tilespmem:s12+$0x2200] =	vst v7  }
0x48: {  	[tilespmem:s13+$0x2000] =	vst v6;
	s13 =	sor.u32 s11, s14  }
0x49: {  	s11 =	sand.u32 $0x70, s16;
	s14 =	sand.u32 $0x7FFFFC00, s17;
	[tilespmem:s13+$0x4000] =	vst v1  }
0x4a: {  	s12 =	sor.u32 s11, s14;
	s14 =	sshrl.u32 s14, $0x2;
	[tilespmem:s13+$0x4080] =	vst v2  }
0x4b: {  	v1 =	vld [tilespmem:s12+$0x0]  }
0x4c: {  	v2 =	vld [tilespmem:s12+$0x80]  }
0x4d: {  	v3 =	vld [tilespmem:s12+$0x100]  }
0x4e: {  	v4 =	vld [tilespmem:s12+$0x180]  }
0x4f: {  	v5 =	vld [tilespmem:s12+$0x200]  }
0x50: {  	s13 =	sor.u32 s17, s16;
	v6 =	vld [tilespmem:s12+$0x280]  }
0x51: {  	s13 =	sor.u32 $0x380, s13;
	v7 =	vld [tilespmem:s12+$0x300];
	v8 =	vmax.f32 v1, v2  }
0x52: {  	v9 =	vld [tilespmem:s13+$0x0];
	v8 =	vmax.f32 v8, v3  }
0x53: {  	v8 =	vmax.f32 v8, v4  }
0x54: {  	v8 =	vmax.f32 v8, v5  }
0x55: {  	v8 =	vmax.f32 v8, v6  }
0x56: {  	v8 =	vmax.f32 v8, v7  }
0x57: {  	v8 =	vmax.f32 v8, v9  }
0x58: {  	vm0 =	veq.f32 v7, v8;
	vm1 =	veq.f32 v6, v8;
	vm2 =	veq.f32 v3, v8  }
0x59: {  	vm3 =	veq.f32 v2, v8;
	v10 =	vsel vm0, $0x6, v0;
	vm0 =	veq.f32 v5, v8  }
0x5a: {  	v10 =	vsel vm1, $0x5, v10;
	vm1 =	veq.f32 v4, v8  }
0x5b: {  	v10 =	vsel vm0, $0x4, v10  }
0x5c: {  	vm6 =	vne.f32 v1, v8;
	v10 =	vsel vm1, $0x3, v10  }
0x5d: {  	v10 =	vsel vm2, $0x2, v10;
	vm2 =	vmand vm6, vm3  }
0x5e: {  	v11 =	vnsel vm6, $0xFF800000, v1;
	v10 =	vsel vm3, $0x1, v10;
	v2 =	vsel vm2, $0xFF800000, v2  }
0x5f: {  	v1 =	vnsel vm6, $0x0, v10;
	v10 =	vmax.f32 v11, v2  }
0x60: {  	vm0 =	veq.s32 v1, $0x2;
	vm7 =	veq.s32 v1, $0x3;
	vm1 =	veq.s32 v1, $0x4  }
0x61: {  	vm3 =	veq.s32 v1, $0x5;
	v3 =	vsel vm0, $0xFF800000, v3;
	v4 =	vsel vm7, $0xFF800000, v4  }
0x62: {  	v10 =	vmax.f32 v10, v3  }
0x63: {  	v5 =	vsel vm1, $0xFF800000, v5;
	v10 =	vmax.f32 v10, v4  }
0x64: {  	vm4 =	veq.s32 v1, $0x6;
	v6 =	vsel vm3, $0xFF800000, v6;
	v10 =	vmax.f32 v10, v5  }
0x65: {  	v7 =	vsel vm4, $0xFF800000, v7;
	v10 =	vmax.f32 v10, v6  }
0x66: {  	v10 =	vmax.f32 v10, v7  }
0x67: {  	vm5 =	veq.s32 v1, $0x7;
	v9 =	vmax.f32 v10, v9  }
0x68: {  	v9 =	vsel vm5, v10, v9  }
0x69: {  	vm8 =	veq.f32 v7, v9;
	vm9 =	veq.f32 v6, v9;
	v6 =	vsub.f32 v9, v8  }
0x6a: {  	vm10 =	veq.f32 v4, v9;
	v7 =	vsel vm8, $0x6, v0;
	vm8 =	veq.f32 v5, v9  }
0x6b: {  	v4 =	vsel vm9, $0x5, v7;
	vm9 =	veq.f32 v3, v9;
	v3 =	vmul.f32 $1.442695020e+00, v6  }
0x6c: {  	v4 =	vsel vm8, $0x4, v4;
	vm8 =	veq.f32 v2, v9  }
0x6d: {  	v2 =	vsel vm10, $0x3, v4;
	(erf) = vpow2.f32 v3  }
0x6e: {  	v2 =	vsel vm9, $0x2, v2  }
0x6f: {  	v2 =	vsel vm8, $0x1, v2;
	_ =	sdelay $0x6  }
0x70: {  	v4 =	vpop (erf)  }
0x71: {  	v3 =	vadd.f32 $1.000000000e+00, v4;
	_ =	sdelay $0x1  }
0x72: {  	(erf) = vrcp.f32 v3;
	_ =	sdelay $0x8  }
0x73: {  	vm9 =	vne.f32 v11, v9;
	v3 =	vpop (erf)  }
.Ltmp0:
0x74: {  	vm10 =	vmand vm9, vm8;
	v2 =	vnsel vm9, $0x0, v2;
	v4 =	vmul.f32 v3, v4;
	(pc) =	sbr.rel @p0 .LBB2_2-.Ltmp0, $4  }
0x75: {  	vm11 =	veq.s32 v2, $0x3;
	vm8 =	veq.s32 v2, $0x6;
	vm12 =	veq.s32 v2, $0x7  }
0x76: {  	v5 =	vsel vm9, $0x0, v4;
	v7 =	vnsel vm10, $0x0, v4;
	vm9 =	veq.s32 v2, $0x4  }
0x77: {  	v8 =	vnsel vm11, $0x0, v4;
	v6 =	vnsel vm12, $0x0, v4;
	v5 =	vsel vm6, v5, v3  }
0x78: {  	vm6 =	veq.s32 v2, $0x2;
	v8 =	vsel vm7, v3, v8;
	vm7 =	veq.s32 v2, $0x5  }
0x79: {  	[tilespmem:s12+$0x2180] =	vst v8  }
0x7a: {  	v7 =	vsel vm2, v3, v7;
	v57 =	vnsel vm7, $0x0, v4;
	[tilespmem:s12+$0x2000] =	vst v5  }
0x7b: {  	v59 =	vnsel vm8, $0x0, v4;
	[tilespmem:s12+$0x2080] =	vst v7;
	v58 =	vsel vm3, v3, v57  }
0x7c: {  	v61 =	vnsel vm6, $0x0, v4;
	v60 =	vsel vm4, v3, v59;
	[tilespmem:s12+$0x2280] =	vst v58  }
0x7d: {  	v62 =	vnsel vm9, $0x0, v4;
	v63 =	vsel vm0, v3, v61;
	[tilespmem:s12+$0x2300] =	vst v60  }
0x7e: {  	v4 =	vsel vm1, v3, v62;
	[tilespmem:s12+$0x2100] =	vst v63  }
0x7f: {  	v3 =	vsel vm5, v3, v6;
	[tilespmem:s12+$0x2200] =	vst v4  }
0x80: {  	s11 =	sor.u32 s11, s14;
	[tilespmem:s13+$0x2000] =	vst v3  }
0x81: {  	[tilespmem:s11+$0x4000] =	vst v1  }
0x82: {  	[tilespmem:s11+$0x4080] =	vst v2  }
0x83: {  	[hbm4b:s4+s2] =	stream.linear.scatter [tilespmem:s8], [sflag:$0x1], $0x2000, $0x38;
	[tilespmem:$0x4800] =	vst v63  }
0x84: {  	s10 =	sadd.s32 $0x1, s10;
	_ =	swait.ge [sflag:s7], $0x2000  }
0x85: {  	p0 =	sne.s32 s10, s6;
	[sflag:s7] =	ssyncset.done $0x0  }
.Ltmp1:
0x86: {  	[sflag:s7] =	ssyncadd.s32 $0xFFFFE000;
	(pc) =	sbr.rel @p0 .LBB2_1-.Ltmp1, $4  }
0x87: {  	[hbm4b:s5+s2] =	stream.linear.scatter [tilespmem:s9], [sflag:$0x1], $0x800, $0x38;
	[tilespmem:$0x4800] =	vst v63  }
0x88: {  	_ =	swait.ge [sflag:s7], $0x800  }
0x89: {  	[sflag:s7] =	ssyncset.done $0x0  }
0x8a: {  	[sflag:s7] =	ssyncadd.s32 $0xFFFFF800  }
0x8b: {  	_ =	sfence.sel $0x180000  }
0x8c: {  	[bflag:$0x0] =	sbarrier.arrive $0xFFFF  }
0x8d: {  	p0 =	sne.s32 s1, $0x0;
	_ =	strace $0x90000047  }
0x8e: {  	s0 =	sadd.s32 @!p0 $0x100000, s0;
	[bflag:$0x2] =	sbarrier.arrive $0xFFFF  }
0x8f: {  	[sflag:s0] =	ssyncadd.tile.s32 @!p0 $0x1;
	_ =	shalt  }
.Lfunc_end2:
_tile_overlayer_lowered:
.L_overlay_start_2:
0x90: {  	(tag) =	ssettag $0x2  }
0x91: {  	s0 =	rddreg [dreg:$0x0];
	s2 =	stileid.u32  }
0x92: {  	s1 =	rddreg [dreg:$0x1];
	p0 =	sne.s32 s2, $0x0  }
0x93: {  	s3 =	rddreg [dreg:$0x2];
	[bflag:$0x3] =	sbarrier.arrive $0xFFFF;
	s2 =	simm.s32 @!p0 $0x1C01  }
0x94: {  	[timem:s3], [sflag:s2] =	dma.local @!p0 [hbm:s0], s1  }
0x95: {  	s0 =	simm.s32 @!p0 $0x1  }
0x96: {  	_ =	swait.ge @!p0 [sflag:s0], s1  }
0x97: {  	s1 =	ssub.s32 @!p0 $0x0, s1;
	[sflag:s0] =	ssyncset.done @!p0 $0x0  }
0x98: {  	[sflag:s0] =	ssyncadd.s32 @!p0 s1  }
0x99: {  	[bflag:$0x3] =	sbarrier.arrive $0xFFFF  }
0x9a: {  	_ =	shalt  }

</sc_bundles>
